<compile_context>
chip_gen: v7x
topology: tpu7x:2x2x1
jax: 0.10.2.dev20260603
libtpu: 0.0.44.dev20260713+nightly
codegen_flags: <defaults>
</compile_context>

<pallas_src>
import functools

import jax
import jax.numpy as jnp
from jax import lax
from jax.experimental import pallas as pl
from jax.experimental.pallas import tpu as pltpu
from jax.experimental.pallas import tpu_sc as plsc

NC = 2
NS = 16
NW = NC * NS



@functools.partial(jax.jit, static_argnames=("n_pad",))
def _deg_sc(dst, zeros_rpt, ones_k, *, n_pad):
  E = dst.shape[0]
  EPC = E // NC
  EPT = EPC // NS
  K = ones_k.shape[0]
  STEPS = EPT // K
  RPT = n_pad // NS

  mesh = plsc.VectorSubcoreMesh(core_axis_name="c", subcore_axis_name="s")

  @functools.partial(
      pl.kernel,
      out_type=jax.ShapeDtypeStruct((NC * n_pad,), jnp.float32),
      mesh=mesh,
      scratch_types=[
          pltpu.VMEM((K,), jnp.int32),
          pltpu.VMEM((K,), jnp.float32),
          pltpu.VMEM((RPT,), jnp.float32),
          pltpu.VMEM_SHARED((n_pad,), jnp.float32),
      ],
  )
  def k(dst_hbm, zeros_hbm, ones_hbm, out_hbm, didx, ones_v, bounce, acc):
    c = lax.axis_index("c")
    s = lax.axis_index("s")
    pltpu.sync_copy(ones_hbm, ones_v)
    pltpu.sync_copy(zeros_hbm, bounce)
    pltpu.sync_copy(bounce, acc.at[pl.ds(s * RPT, RPT)])
    plsc.subcore_barrier()

    @pl.loop(0, STEPS)
    def body(j):
      off = c * EPC + s * EPT + j * K
      pltpu.sync_copy(dst_hbm.at[pl.ds(off, K)], didx)
      pltpu.sync_copy(ones_v, acc.at[didx], add=True)

    plsc.subcore_barrier()
    pltpu.sync_copy(acc.at[pl.ds(s * RPT, RPT)], bounce)
    pltpu.sync_copy(bounce, out_hbm.at[pl.ds(c * n_pad + s * RPT, RPT)])

  return k(dst, zeros_rpt, ones_k)



@functools.partial(jax.jit, static_argnames=("n_pad", "k_chunk"))
def _segsum_sc(src3d, dst3d, table, zeros_ch, *, n_pad, k_chunk):
  _, STEPS, K = src3d.shape
  D = table.shape[1]
  RPT = n_pad // NS

  mesh = plsc.VectorSubcoreMesh(core_axis_name="c", subcore_axis_name="s")

  @functools.partial(
      pl.kernel,
      out_type=jax.ShapeDtypeStruct((NC * n_pad, D), jnp.float32),
      mesh=mesh,
      scratch_types=[
          pltpu.VMEM((STEPS, K), jnp.int32),
          pltpu.VMEM((K,), jnp.int32),
          pltpu.VMEM((K,), jnp.int32),
          pltpu.VMEM((K, 128), jnp.float32),
          pltpu.VMEM((K, 128), jnp.float32),
          pltpu.VMEM_SHARED((n_pad, 128), jnp.float32),
          pltpu.SemaphoreType.DMA,
          pltpu.SemaphoreType.DMA,
          pltpu.SemaphoreType.DMA,
          pltpu.SemaphoreType.DMA,
          pltpu.SemaphoreType.DMA,
      ],
  )
  def k(src_hbm, dst_hbm, tab_hbm, zeros_hbm, out_hbm,
        sidx, didx_a, didx_b, rows_a, rows_b, acc,
        sem_i, sem_a, sem_b, sem_da, sem_db):
    c = lax.axis_index("c")
    s = lax.axis_index("s")
    wid = c * NS + s

    idx_s = pltpu.async_copy(src_hbm.at[wid], sidx, sem_i)
    pltpu.async_copy(dst_hbm.at[wid, 0], didx_a, sem_da)
    pltpu.async_copy(dst_hbm.at[wid, 1], didx_b, sem_db)
    pltpu.sync_copy(zeros_hbm, acc.at[pl.ds(s * RPT, RPT)])
    idx_s.wait()
    plsc.subcore_barrier()

    pltpu.async_copy(tab_hbm.at[sidx.at[0]], rows_a, sem_a)

    @pl.loop(0, STEPS, step=2)
    def pair(j):
      pltpu.make_async_copy(tab_hbm.at[sidx.at[j]], rows_a, sem_a).wait()
      pltpu.async_copy(tab_hbm.at[sidx.at[j + 1]], rows_b, sem_b)
      pltpu.make_async_copy(dst_hbm.at[wid, j], didx_a, sem_da).wait()
      pltpu.sync_copy(rows_a, acc.at[didx_a], add=True)

      @pl.when(j + 2 < STEPS)
      def _():
        pltpu.async_copy(tab_hbm.at[sidx.at[j + 2]], rows_a, sem_a)
        pltpu.async_copy(dst_hbm.at[wid, j + 2], didx_a, sem_da)

      pltpu.make_async_copy(tab_hbm.at[sidx.at[j + 1]], rows_b, sem_b).wait()
      pltpu.make_async_copy(dst_hbm.at[wid, j + 1], didx_b, sem_db).wait()
      pltpu.sync_copy(rows_b, acc.at[didx_b], add=True)

      @pl.when(j + 3 < STEPS)
      def _():
        pltpu.async_copy(dst_hbm.at[wid, j + 3], didx_b, sem_db)

    plsc.subcore_barrier()
    pltpu.sync_copy(acc.at[pl.ds(s * RPT, RPT)], out_hbm.at[pl.ds(c * n_pad + s * RPT, RPT)])

  return k(src3d, dst3d, table, zeros_ch)



_BR = 1000


def _tc_pre(x, W1, d0, d1):
  n = x.shape[0]

  def body(x_ref, w_ref, d0_ref, d1_ref, tp_ref, dv_ref):
    deg = d0_ref[...] + d1_ref[...] + 1.0
    dv = lax.rsqrt(deg)
    t = jnp.dot(x_ref[...], w_ref[...], preferred_element_type=jnp.float32)
    tp_ref[...] = t * dv
    dv_ref[...] = dv

  return pl.pallas_call(
      body,
      grid=(n // _BR,),
      in_specs=[
          pl.BlockSpec((_BR, 128), lambda i: (i, 0)),
          pl.BlockSpec((128, 128), lambda i: (0, 0)),
          pl.BlockSpec((_BR, 1), lambda i: (i, 0)),
          pl.BlockSpec((_BR, 1), lambda i: (i, 0)),
      ],
      out_specs=[
          pl.BlockSpec((_BR, 128), lambda i: (i, 0)),
          pl.BlockSpec((_BR, 1), lambda i: (i, 0)),
      ],
      out_shape=[
          jax.ShapeDtypeStruct((n, 128), jnp.float32),
          jax.ShapeDtypeStruct((n, 1), jnp.float32),
      ],
  )(x, W1, d0, d1)


def _tc_fuse(p0, p1, tp, dinv, b, Wnext):
  n = tp.shape[0]

  def body(p0_ref, p1_ref, tp_ref, dv_ref, b_ref, w_ref, o_ref):
    dv = dv_ref[...]
    h = jax.nn.relu((p0_ref[...] + p1_ref[...] + tp_ref[...]) * dv + b_ref[...])
    o_ref[...] = jnp.dot(h, w_ref[...], preferred_element_type=jnp.float32) * dv

  return pl.pallas_call(
      body,
      grid=(n // _BR,),
      in_specs=[
          pl.BlockSpec((_BR, 128), lambda i: (i, 0)),
          pl.BlockSpec((_BR, 128), lambda i: (i, 0)),
          pl.BlockSpec((_BR, 128), lambda i: (i, 0)),
          pl.BlockSpec((_BR, 1), lambda i: (i, 0)),
          pl.BlockSpec((1, 128), lambda i: (0, 0)),
          pl.BlockSpec((128, 128), lambda i: (0, 0)),
      ],
      out_specs=pl.BlockSpec((_BR, 128), lambda i: (i, 0)),
      out_shape=jax.ShapeDtypeStruct((n, 128), jnp.float32),
  )(p0, p1, tp, dinv, b, Wnext)


def _tc_final(p0, p1, tp, dinv, b5, Wg, bg, WfcT, bfc):
  n = tp.shape[0]
  H = 128

  def body(p0_ref, p1_ref, tp_ref, dv_ref, b5_ref, wg_ref, bg_ref,
           wfc_ref, bfc_ref, o_ref):
    dv = dv_ref[...]
    h = jax.nn.relu((p0_ref[...] + p1_ref[...] + tp_ref[...]) * dv + b5_ref[...])
    g3 = jnp.dot(h, wg_ref[...], preferred_element_type=jnp.float32) + bg_ref[...]
    i_g = jax.nn.sigmoid(g3[:, 0:H])
    g_g = jnp.tanh(g3[:, H:2 * H])
    o_g = jax.nn.sigmoid(g3[:, 2 * H:3 * H])
    hn = o_g * jnp.tanh(i_g * g_g)
    o_ref[...] = (jnp.dot(hn, wfc_ref[...], preferred_element_type=jnp.float32)
                  + bfc_ref[...])

  nc = WfcT.shape[1]
  return pl.pallas_call(
      body,
      grid=(n // _BR,),
      in_specs=[
          pl.BlockSpec((_BR, 128), lambda i: (i, 0)),
          pl.BlockSpec((_BR, 128), lambda i: (i, 0)),
          pl.BlockSpec((_BR, 128), lambda i: (i, 0)),
          pl.BlockSpec((_BR, 1), lambda i: (i, 0)),
          pl.BlockSpec((1, 128), lambda i: (0, 0)),
          pl.BlockSpec((128, 384), lambda i: (0, 0)),
          pl.BlockSpec((1, 384), lambda i: (0, 0)),
          pl.BlockSpec((128, nc), lambda i: (0, 0)),
          pl.BlockSpec((1, nc), lambda i: (0, 0)),
      ],
      out_specs=pl.BlockSpec((_BR, nc), lambda i: (i, 0)),
      out_shape=jax.ShapeDtypeStruct((n, nc), jnp.float32),
  )(p0, p1, tp, dinv, b5, Wg, bg, WfcT, bfc)



def kernel(x, edge_index, W1, b1, W2, b2, W3, b3, W4, b4, W5, b5,
           W_ih, W_hh, b_ih, b_hh, W_fc, b_fc):
  n = x.shape[0]
  H = 128
  n_pad = ((n + NW * 8 - 1) // (NW * 8)) * (NW * 8)

  src = edge_index[0]
  dst = edge_index[1]
  E = src.shape[0]
  K = 125
  STEPS = E // NW // K
  src3d = src.reshape(NW, STEPS, K)
  dst3d = dst.reshape(NW, STEPS, K)

  zeros_rpt = jnp.zeros((n_pad // NS,), jnp.float32)
  ones_k = jnp.ones((80,), jnp.float32)
  zeros_ch = jnp.zeros((n_pad // NS, 128), jnp.float32)

  degp = _deg_sc(dst, zeros_rpt, ones_k, n_pad=n_pad)
  d0 = degp[0:n, None]
  d1 = degp[n_pad:n_pad + n, None]

  tp, dinv = _tc_pre(x, W1, d0, d1)

  bs = [b1, b2, b3, b4]
  Ws = [W2, W3, W4, W5]
  for l in range(4):
    part = _segsum_sc(src3d, dst3d, tp, zeros_ch, n_pad=n_pad, k_chunk=K)
    p0 = part[0:n]
    p1 = part[n_pad:n_pad + n]
    tp = _tc_fuse(p0, p1, tp, dinv, bs[l].reshape(1, H), Ws[l])

  part = _segsum_sc(src3d, dst3d, tp, zeros_ch, n_pad=n_pad, k_chunk=K)
  p0 = part[0:n]
  p1 = part[n_pad:n_pad + n]

  Wg = jnp.concatenate([W_ih[0:H], W_ih[2 * H:4 * H]], axis=0).T
  bsum = (b_ih + b_hh)
  bg = jnp.concatenate([bsum[0:H], bsum[2 * H:4 * H]]).reshape(1, 3 * H)
  WfcT = W_fc.T
  bfc = b_fc.reshape(1, -1)

  return _tc_final(p0, p1, tp, dinv, b5.reshape(1, H), Wg, bg, WfcT, bfc)

# --- scband reference (transcript-rebuilt; emitter-appended) ---
"""Pipeline reference for scband-gcn-lstm-429496730135 (READ-ONLY COPY).

The authoritative reference and input builder live on the scoring server;
editing this copy changes nothing except your own understanding.
"""

import jax, jax.numpy as jnp
import numpy as np

N = 10000
E = 320000
D_IN = 128
D_HID = 128
D_OUT = 128
H = 128
NUM_CLASSES = 64


def setup_inputs(seed: int = 0) -> dict:
    key = jax.random.key(seed)
    ks = jax.random.split(key, 24)
    inp = {}
    inp['x'] = jax.random.normal(ks[0], (N, D_IN), dtype=jnp.float32)
    inp['edge_index'] = jax.random.randint(ks[1], (2, E), 0, N, dtype=jnp.int32)
    dims = [(D_IN, D_HID), (D_HID, D_HID), (D_HID, D_HID), (D_HID, D_HID), (D_HID, D_OUT)]
    for i, (fi, fo) in enumerate(dims):
        inp[f'W{i+1}'] = jax.random.normal(ks[2 + 2 * i], (fi, fo), dtype=jnp.float32) * (1.0 / np.sqrt(fi))
        inp[f'b{i+1}'] = jnp.zeros((fo,), dtype=jnp.float32)
    inp['W_ih'] = jax.random.normal(ks[14], (4 * H, D_OUT), dtype=jnp.float32) * (1.0 / np.sqrt(H))
    inp['W_hh'] = jax.random.normal(ks[15], (4 * H, H), dtype=jnp.float32) * (1.0 / np.sqrt(H))
    inp['b_ih'] = jnp.zeros((4 * H,), dtype=jnp.float32)
    inp['b_hh'] = jnp.zeros((4 * H,), dtype=jnp.float32)
    inp['W_fc'] = jax.random.normal(ks[16], (NUM_CLASSES, H), dtype=jnp.float32) * (1.0 / np.sqrt(H))
    inp['b_fc'] = jnp.zeros((NUM_CLASSES,), dtype=jnp.float32)
    return inp


def _gcn_conv(x, edge_index, W, b):
    loop = jnp.arange(N, dtype=edge_index.dtype)
    src = jnp.concatenate([edge_index[0], loop])
    dst = jnp.concatenate([edge_index[1], loop])
    deg = jax.ops.segment_sum(jnp.ones_like(dst, dtype=jnp.float32), dst, num_segments=N)
    dinv = jnp.where(deg > 0, jax.lax.rsqrt(jnp.maximum(deg, 1e-12)), 0.0)
    norm = dinv[src] * dinv[dst]
    h = x @ W
    msg = h[src] * norm[:, None]
    out = jax.ops.segment_sum(msg, dst, num_segments=N)
    return out + b


def reference(x, edge_index, W1, b1, W2, b2, W3, b3, W4, b4, W5, b5, W_ih, W_hh, b_ih, b_hh, W_fc, b_fc):
    h = x
    for (W, b) in [(W1, b1), (W2, b2), (W3, b3), (W4, b4), (W5, b5)]:
        h = jax.nn.relu(_gcn_conv(h, edge_index, W, b))
    # LSTM over a length-1 sequence with h0=c0=0; PyTorch gate order i,f,g,o
    gates = h @ W_ih.T + b_ih + b_hh
    i = jax.nn.sigmoid(gates[:, 0:H])
    f = jax.nn.sigmoid(gates[:, H:2 * H])
    g = jnp.tanh(gates[:, 2 * H:3 * H])
    o = jax.nn.sigmoid(gates[:, 3 * H:4 * H])
    c = i * g
    hn = o * jnp.tanh(c)
    out = hn @ W_fc.T + b_fc
    return out

if __name__ == "__main__":
    import jax
    _d = setup_inputs()
    print(jax.jit(kernel)(*tuple(_d.values())))

</pallas_src>

<mosaic_0001>
#map = affine_map<(d0, d1) -> (0)>
module attributes {stable_mosaic.version = 14 : i64} {
  func.func @k(%arg0: i32, %arg1: i32, %arg2: memref<320000xi32, #tpu.memory_space<hbm>>, %arg3: memref<640xf32, #tpu.memory_space<hbm>>, %arg4: memref<80xf32, #tpu.memory_space<hbm>>, %arg5: memref<20480xf32, #tpu.memory_space<hbm>>, %arg6: memref<80xi32, #tpu.memory_space<vmem>>, %arg7: memref<80xf32, #tpu.memory_space<vmem>>, %arg8: memref<640xf32, #tpu.memory_space<vmem>>, %arg9: memref<10240xf32, #tpu.memory_space<vmem_shared>>) attributes {dimension_semantics = [#tpu.dimension_semantics<core_parallel>, #tpu.dimension_semantics<subcore_parallel>], iteration_bounds = array<i64: 2, 16>, scalar_prefetch = 0 : i64, scratch_operands = 4 : i64, tpu.core_type = #tpu.core_type<sc_vector_subcore>, window_params = [{transform_indices = #map}, {transform_indices = #map}, {transform_indices = #map}, {transform_indices = #map}]} {
    "tpu.region"() ({
      %run_scoped3A = tpu.sem_alloc : memref<!tpu.dma_semaphore, #tpu.memory_space<semaphore_mem>>
      tpu.enqueue_dma source(%arg4 : memref<80xf32, #tpu.memory_space<hbm>>) target(%arg7 : memref<80xf32, #tpu.memory_space<vmem>>) target_semaphore(%run_scoped3A : memref<!tpu.dma_semaphore, #tpu.memory_space<semaphore_mem>>)
      tpu.wait_dma2 semaphore(%run_scoped3A : memref<!tpu.dma_semaphore, #tpu.memory_space<semaphore_mem>>) src(%arg4 : memref<80xf32, #tpu.memory_space<hbm>>) dst(%arg7 : memref<80xf32, #tpu.memory_space<vmem>>)
      tpu.yield
    }) : () -> ()
    "tpu.region"() ({
      %run_scoped3A = tpu.sem_alloc : memref<!tpu.dma_semaphore, #tpu.memory_space<semaphore_mem>>
      tpu.enqueue_dma source(%arg3 : memref<640xf32, #tpu.memory_space<hbm>>) target(%arg8 : memref<640xf32, #tpu.memory_space<vmem>>) target_semaphore(%run_scoped3A : memref<!tpu.dma_semaphore, #tpu.memory_space<semaphore_mem>>)
      tpu.wait_dma2 semaphore(%run_scoped3A : memref<!tpu.dma_semaphore, #tpu.memory_space<semaphore_mem>>) src(%arg3 : memref<640xf32, #tpu.memory_space<hbm>>) dst(%arg8 : memref<640xf32, #tpu.memory_space<vmem>>)
      tpu.yield
    }) : () -> ()
    %mul3A = arith.constant 640 : i32
    %mul3A_0 = arith.muli %arg1, %mul3A : i32
    "tpu.region"() ({
      %run_scoped3A = tpu.sem_alloc : memref<!tpu.dma_semaphore, #tpu.memory_space<semaphore_mem>>
      %dma_start3A = tpu.memref_slice %arg9[%mul3A_0] : memref<10240xf32, #tpu.memory_space<vmem_shared>> -> memref<640xf32, #tpu.memory_space<vmem_shared>>
      %dma_start3A_12 = tpu.memref_slice %arg9[%mul3A_0] : memref<10240xf32, #tpu.memory_space<vmem_shared>> -> memref<640xf32, #tpu.memory_space<vmem_shared>>
      tpu.enqueue_dma source(%arg8 : memref<640xf32, #tpu.memory_space<vmem>>) target(%dma_start3A_12 : memref<640xf32, #tpu.memory_space<vmem_shared>>) target_semaphore(%run_scoped3A : memref<!tpu.dma_semaphore, #tpu.memory_space<semaphore_mem>>)
      %dma_wait3A = tpu.memref_slice %arg9[%mul3A_0] : memref<10240xf32, #tpu.memory_space<vmem_shared>> -> memref<640xf32, #tpu.memory_space<vmem_shared>>
      %dma_wait3A_13 = tpu.memref_slice %arg9[%mul3A_0] : memref<10240xf32, #tpu.memory_space<vmem_shared>> -> memref<640xf32, #tpu.memory_space<vmem_shared>>
      tpu.wait_dma2 semaphore(%run_scoped3A : memref<!tpu.dma_semaphore, #tpu.memory_space<semaphore_mem>>) src(%arg8 : memref<640xf32, #tpu.memory_space<vmem>>) dst(%dma_wait3A_13 : memref<640xf32, #tpu.memory_space<vmem_shared>>)
      tpu.yield
    }) : () -> ()
    %barrier3A = arith.constant 0 : index
    tpu.barrier barrier_id(%barrier3A)
    %scan3A = arith.constant 0 : i32
    %scan3A_1 = arith.constant 125 : i32
    %scan3A_2 = arith.addi %scan3A, %scan3A_1 : i32
    %scan3A_3 = arith.constant 1 : i32
    scf.for %scan3A_12 = %scan3A to %scan3A_2 step %scan3A_3  : i32 {
      %mul3A_13 = arith.constant 1 : i32
      %mul3A_14 = arith.muli %scan3A_12, %mul3A_13 : i32
      %add3A_15 = arith.constant 0 : i32
      %add3A_16 = arith.addi %add3A_15, %mul3A_14 : i32
      %mul3A_17 = arith.constant 160000 : i32
      %mul3A_18 = arith.muli %arg0, %mul3A_17 : i32
      %mul3A_19 = arith.constant 10000 : i32
      %mul3A_20 = arith.muli %arg1, %mul3A_19 : i32
      %add3A_21 = arith.addi %mul3A_18, %mul3A_20 : i32
      %mul3A_22 = arith.constant 80 : i32
      %mul3A_23 = arith.muli %add3A_16, %mul3A_22 : i32
      %add3A_24 = arith.addi %add3A_21, %mul3A_23 : i32
      "tpu.region"() ({
        %run_scoped3A = tpu.sem_alloc : memref<!tpu.dma_semaphore, #tpu.memory_space<semaphore_mem>>
        %dma_start3A = tpu.memref_slice %arg2[%add3A_24] : memref<320000xi32, #tpu.memory_space<hbm>> -> memref<80xi32, #tpu.memory_space<hbm>>
        %dma_start3A_25 = tpu.memref_slice %arg2[%add3A_24] : memref<320000xi32, #tpu.memory_space<hbm>> -> memref<80xi32, #tpu.memory_space<hbm>>
        tpu.enqueue_dma source(%dma_start3A_25 : memref<80xi32, #tpu.memory_space<hbm>>) target(%arg6 : memref<80xi32, #tpu.memory_space<vmem>>) target_semaphore(%run_scoped3A : memref<!tpu.dma_semaphore, #tpu.memory_space<semaphore_mem>>)
        %dma_wait3A = tpu.memref_slice %arg2[%add3A_24] : memref<320000xi32, #tpu.memory_space<hbm>> -> memref<80xi32, #tpu.memory_space<hbm>>
        %dma_wait3A_26 = tpu.memref_slice %arg2[%add3A_24] : memref<320000xi32, #tpu.memory_space<hbm>> -> memref<80xi32, #tpu.memory_space<hbm>>
        tpu.wait_dma2 semaphore(%run_scoped3A : memref<!tpu.dma_semaphore, #tpu.memory_space<semaphore_mem>>) src(%dma_wait3A_26 : memref<80xi32, #tpu.memory_space<hbm>>) dst(%arg6 : memref<80xi32, #tpu.memory_space<vmem>>)
        tpu.yield
      }) : () -> ()
      "tpu.region"() ({
        %run_scoped3A = tpu.sem_alloc : memref<!tpu.dma_semaphore, #tpu.memory_space<semaphore_mem>>
        %dma_start3A = arith.constant 0 : i32
        %dma_start3A_25 = tpu.memref_slice %arg9[%dma_start3A] : memref<10240xf32, #tpu.memory_space<vmem_shared>> -> memref<10240xf32, #tpu.memory_space<vmem_shared>>
        tpu.enqueue_indirect_dma source(%arg7 : memref<80xf32, #tpu.memory_space<vmem>>) target(%dma_start3A_25 : memref<10240xf32, #tpu.memory_space<vmem_shared>>) offsets(%arg6 : memref<80xi32, #tpu.memory_space<vmem>>) semaphore(%run_scoped3A : memref<!tpu.dma_semaphore, #tpu.memory_space<semaphore_mem>>) {add = true}
        %dma_wait3A = arith.constant 0 : i32
        %dma_wait3A_26 = tpu.memref_slice %arg9[%dma_wait3A] : memref<10240xf32, #tpu.memory_space<vmem_shared>> -> memref<10240xf32, #tpu.memory_space<vmem_shared>>
        tpu.wait_indirect_dma semaphore(%run_scoped3A : memref<!tpu.dma_semaphore, #tpu.memory_space<semaphore_mem>>) src(%arg7 : memref<80xf32, #tpu.memory_space<vmem>>) dst(%dma_wait3A_26 : memref<10240xf32, #tpu.memory_space<vmem_shared>>)
        tpu.yield
      }) : () -> ()
    }
    %scan3A_4 = arith.constant 125 : i32
    %barrier3A_5 = arith.constant 0 : index
    tpu.barrier barrier_id(%barrier3A_5)
    %mul3A_6 = arith.constant 640 : i32
    %mul3A_7 = arith.muli %arg1, %mul3A_6 : i32
    "tpu.region"() ({
      %run_scoped3A = tpu.sem_alloc : memref<!tpu.dma_semaphore, #tpu.memory_space<semaphore_mem>>
      %dma_start3A = tpu.memref_slice %arg9[%mul3A_7] : memref<10240xf32, #tpu.memory_space<vmem_shared>> -> memref<640xf32, #tpu.memory_space<vmem_shared>>
      %dma_start3A_12 = tpu.memref_slice %arg9[%mul3A_7] : memref<10240xf32, #tpu.memory_space<vmem_shared>> -> memref<640xf32, #tpu.memory_space<vmem_shared>>
      tpu.enqueue_dma source(%dma_start3A_12 : memref<640xf32, #tpu.memory_space<vmem_shared>>) target(%arg8 : memref<640xf32, #tpu.memory_space<vmem>>) target_semaphore(%run_scoped3A : memref<!tpu.dma_semaphore, #tpu.memory_space<semaphore_mem>>)
      %dma_wait3A = tpu.memref_slice %arg9[%mul3A_7] : memref<10240xf32, #tpu.memory_space<vmem_shared>> -> memref<640xf32, #tpu.memory_space<vmem_shared>>
      %dma_wait3A_13 = tpu.memref_slice %arg9[%mul3A_7] : memref<10240xf32, #tpu.memory_space<vmem_shared>> -> memref<640xf32, #tpu.memory_space<vmem_shared>>
      tpu.wait_dma2 semaphore(%run_scoped3A : memref<!tpu.dma_semaphore, #tpu.memory_space<semaphore_mem>>) src(%dma_wait3A_13 : memref<640xf32, #tpu.memory_space<vmem_shared>>) dst(%arg8 : memref<640xf32, #tpu.memory_space<vmem>>)
      tpu.yield
    }) : () -> ()
    %mul3A_8 = arith.constant 10240 : i32
    %mul3A_9 = arith.muli %arg0, %mul3A_8 : i32
    %mul3A_10 = arith.constant 640 : i32
    %mul3A_11 = arith.muli %arg1, %mul3A_10 : i32
    %add3A = arith.addi %mul3A_9, %mul3A_11 : i32
    "tpu.region"() ({
      %run_scoped3A = tpu.sem_alloc : memref<!tpu.dma_semaphore, #tpu.memory_space<semaphore_mem>>
      %dma_start3A = tpu.memref_slice %arg5[%add3A] : memref<20480xf32, #tpu.memory_space<hbm>> -> memref<640xf32, #tpu.memory_space<hbm>>
      %dma_start3A_12 = tpu.memref_slice %arg5[%add3A] : memref<20480xf32, #tpu.memory_space<hbm>> -> memref<640xf32, #tpu.memory_space<hbm>>
      tpu.enqueue_dma source(%arg8 : memref<640xf32, #tpu.memory_space<vmem>>) target(%dma_start3A_12 : memref<640xf32, #tpu.memory_space<hbm>>) target_semaphore(%run_scoped3A : memref<!tpu.dma_semaphore, #tpu.memory_space<semaphore_mem>>)
      %dma_wait3A = tpu.memref_slice %arg5[%add3A] : memref<20480xf32, #tpu.memory_space<hbm>> -> memref<640xf32, #tpu.memory_space<hbm>>
      %dma_wait3A_13 = tpu.memref_slice %arg5[%add3A] : memref<20480xf32, #tpu.memory_space<hbm>> -> memref<640xf32, #tpu.memory_space<hbm>>
      tpu.wait_dma2 semaphore(%run_scoped3A : memref<!tpu.dma_semaphore, #tpu.memory_space<semaphore_mem>>) src(%arg8 : memref<640xf32, #tpu.memory_space<vmem>>) dst(%dma_wait3A_13 : memref<640xf32, #tpu.memory_space<hbm>>)
      tpu.yield
    }) : () -> ()
    return
  }
}

</mosaic_0001>

<sc_bundles>
// kernel: _deg_sc.3.cloned.1.call-start
scs
__scs_entry_jumppad:
0x0: {  	(pc) =	sbr.rel $0x88, $3  }
0x1: {  	(tag) =	ssettag $0x0;
	lr =	simm.s32 $0x1  }
0x2: {  	[smem:$0x3F9E] =	sst lr;
	_ =	strace $0xD0000000  }
0x3: {  	_ = 	snop  }
0x4: {  	_ = 	snop  }
0x5: {  	_ = 	snop  }
0x6: {  	_ = 	snop  }
0x7: {  	_ = 	snop  }
__scs_overlays_trampoline_lowered:
0x8: {  	[smem:$0x3FAD] =	sst s0  }
0x9: {  	[smem:$0x3FAE] =	sst s1  }
0xa: {  	[smem:$0x3FAF] =	sst s2  }
0xb: {  	[smem:$0x3FB0] =	sst s3  }
0xc: {  	[smem:$0x3FB1] =	sst s4  }
0xd: {  	[smem:$0x3FB2] =	sst s5  }
0xe: {  	[smem:$0x3FB3] =	sst s6  }
0xf: {  	[smem:$0x3FB4] =	sst s7  }
0x10: {  	[smem:$0x3FB5] =	sst s8  }
0x11: {  	[smem:$0x3FB6] =	sst s9;
	s0 =	simm.s32 @!p0 $0x0  }
0x12: {  	s1 =	sld [smem:$0x3F9C];
	s0 =	simm.s32 @p0 $0x1  }
0x13: {  	[smem:$0x3FB7] =	sst s0;
	s0 =	simm.s32 @!p1 $0x0  }
0x14: {  	s2 =	sld [smem:$0x3F9B];
	s0 =	simm.s32 @p1 $0x1  }
0x15: {  	[smem:$0x3FB8] =	sst s0;
	s0 =	simm.s32 @!p2 $0x0  }
0x16: {  	s3 =	sld [smem:$0x3FDB];
	s0 =	simm.s32 @p2 $0x1  }
0x17: {  	s4 =	simm.s32 $0x1BF5;
	[smem:$0x3FBA] =	sst s0  }
0x18: {  	s0 =	sld [smem:$0x3F9D];
	_ =	swait.ge [sflag:s4], $0x0  }
0x19: {  	s7 =	sld [smem:$0x3F9E]  }
0x1a: {  	s8 =	sadd.s32 $0xFFFFE003, lr  }
0x1b: {  	s9 =	sadd.s32 $0xFFFFFEF7, lr;
	s5 =	simm.s32 $0xFFFFFFFF;
	p2 =	slt.u32 s8, $0xFFFFF086  }
0x1c: {  	p1 =	slt.u32 s9, $0xF7A;
	s5 =	simm.s32 @!p2 $0x0  }
0x1d: {  	s5 =	simm.s32 @p1 $0x1;
	p0 =	seq.s32 s7, s2  }
0x1e: {  	s7 =	smul.u32 @!p0 $0xF7A, s2;
	p2 =	seq.s32 @!p0 s5, $0x0  }
0x1f: {  	s9 =	smul.u32 $0xF7A, s1;
	s8 =	simm.s32 @!p0 $0x1BF5;
	p2 =	por !p2, p0  }
0x20: {  	[sflag:s8] =	ssyncset.s32 @!p0 $0xFFFFF086;
	s6 =	sadd.s32 @!p0 s3, s7;
	s7 =	simm.s32 @!p0 $0x108  }
0x21: {  	s3 =	sadd.s32 s3, s9;
	s6 =	sadd.s32 @!p0 $0x88, s6;
	s7 =	simm.s32 @p2 $0x1082  }
0x22: {  	[simem:s7], [sflag:s8] =	dma.local @!p0 [hbm:s6], $0xF7A  }
0x23: {  	s9 =	sor.u32 $0xD0000000, s2;
	s6 =	simm.s32 $0x108;
	_ =	swait.ge @!p0 [sflag:s8], $0x0  }
0x24: {  	s3 =	sadd.s32 $0x88, s3;
	s6 =	simm.s32 @!p1 $0x1082;
	[sflag:s4] =	ssyncset.s32 $0xFFFFF086  }
0x25: {  	[simem:s6], [sflag:s4] =	dma.local [hbm:s3], $0xF7A  }
0x26: {  	[smem:$0x3F9E] =	sst s1;
	(tag) =	ssettag s2;
	_ =	strace s9  }
0x27: {  	s1 =	sld [smem:$0x3FAE]  }
0x28: {  	s2 =	sld [smem:$0x3FAF]  }
0x29: {  	s4 =	sld [smem:$0x3FB1]  }
0x2a: {  	p0 =	seq.s32 s5, $0x0;
	s5 =	sld [smem:$0x3FB2]  }
0x2b: {  	s6 =	sld [smem:$0x3FB3]  }
0x2c: {  	s7 =	sld [smem:$0x3FB4]  }
0x2d: {  	s3 =	simm.s32 $0x108;
	s8 =	sld [smem:$0x3FB5]  }
0x2e: {  	s3 =	simm.s32 @!p0 $0x1082;
	s9 =	sld [smem:$0x3FB6]  }
0x2f: {  	lr =	sadd.s32 s0, s3;
	s0 =	sld [smem:$0x3FAD]  }
0x30: {  	s3 =	sld [smem:$0x3FB0]  }
0x31: {  	[smem:$0x3FB9] =	sst s10  }
0x32: {  	s10 =	sld [smem:$0x3FB7];
	_ =	sdelay $0x3  }
0x33: {  	p0 =	seq.s32 s10, $0x1;
	s10 =	sld [smem:$0x3FB9];
	_ =	sdelay $0x3  }
0x34: {  	[smem:$0x3FB9] =	sst s10  }
0x35: {  	s10 =	sld [smem:$0x3FB8];
	_ =	sdelay $0x3  }
0x36: {  	p1 =	seq.s32 s10, $0x1;
	s10 =	sld [smem:$0x3FB9];
	_ =	sdelay $0x3  }
0x37: {  	[smem:$0x3FB9] =	sst s10  }
0x38: {  	s10 =	sld [smem:$0x3FBA]  }
0x39: {  	_ = 	snop;
	(pc) =	sbr.ind lr, $3  }
0x3a: {  	_ = 	snop  }
0x3b: {  	_ = 	snop  }
0x3c: {  	p2 =	seq.s32 s10, $0x1;
	s10 =	sld [smem:$0x3FB9]  }
0x3d: {  	_ =	shalt  }
0x3e: {  	_ =	shalt  }
0x3f: {  	_ =	shalt  }
0x40: {  	_ =	shalt  }
0x41: {  	_ =	shalt  }
0x42: {  	_ =	shalt  }
0x43: {  	_ =	shalt  }
0x44: {  	_ =	shalt  }
0x45: {  	_ =	shalt  }
0x46: {  	_ =	shalt  }
0x47: {  	_ =	shalt  }
0x48: {  	_ =	shalt  }
0x49: {  	_ =	shalt  }
0x4a: {  	_ =	shalt  }
0x4b: {  	_ =	shalt  }
0x4c: {  	_ =	shalt  }
0x4d: {  	_ =	shalt  }
0x4e: {  	_ =	shalt  }
0x4f: {  	_ =	shalt  }
0x50: {  	_ =	shalt  }
0x51: {  	_ =	shalt  }
0x52: {  	_ =	shalt  }
0x53: {  	_ =	shalt  }
0x54: {  	_ =	shalt  }
0x55: {  	_ =	shalt  }
0x56: {  	_ =	shalt  }
0x57: {  	_ =	shalt  }
0x58: {  	_ =	shalt  }
0x59: {  	_ =	shalt  }
0x5a: {  	_ =	shalt  }
0x5b: {  	_ =	shalt  }
0x5c: {  	_ =	shalt  }
0x5d: {  	_ =	shalt  }
0x5e: {  	_ =	shalt  }
0x5f: {  	_ =	shalt  }
0x60: {  	_ =	shalt  }
0x61: {  	_ =	shalt  }
0x62: {  	_ =	shalt  }
0x63: {  	_ =	shalt  }
0x64: {  	_ =	shalt  }
0x65: {  	_ =	shalt  }
0x66: {  	_ =	shalt  }
0x67: {  	_ =	shalt  }
0x68: {  	_ =	shalt  }
0x69: {  	_ =	shalt  }
0x6a: {  	_ =	shalt  }
0x6b: {  	_ =	shalt  }
0x6c: {  	_ =	shalt  }
0x6d: {  	_ =	shalt  }
0x6e: {  	_ =	shalt  }
0x6f: {  	_ =	shalt  }
0x70: {  	_ =	shalt  }
0x71: {  	_ =	shalt  }
0x72: {  	_ =	shalt  }
0x73: {  	_ =	shalt  }
0x74: {  	_ =	shalt  }
0x75: {  	_ =	shalt  }
0x76: {  	_ =	shalt  }
0x77: {  	_ =	shalt  }
0x78: {  	_ =	shalt  }
0x79: {  	_ =	shalt  }
0x7a: {  	_ =	shalt  }
0x7b: {  	_ =	shalt  }
0x7c: {  	_ =	shalt  }
0x7d: {  	_ =	shalt  }
0x7e: {  	_ =	shalt  }
0x7f: {  	_ =	shalt  }
0x80: {  	_ =	shalt  }
0x81: {  	_ =	shalt  }
0x82: {  	_ =	shalt  }
0x83: {  	_ =	shalt  }
0x84: {  	_ =	shalt  }
0x85: {  	_ =	shalt  }
0x86: {  	_ =	shalt  }
0x87: {  	_ =	shalt  }
.Lfunc_end0:
.L_simem_size_0:
called_computation_lowered:
.L_overlay_start_0:
0x88: {  	s2 =	sld [smem:$0x3FD9]  }
0x89: {  	s3 =	sld [smem:$0x3FFE];
	_ =	sdelay $0x1  }
0x8a: {  	s1 =	srdreg.scid  }
0x8b: {  	s0 =	sand.u32 $0x1, s1  }
0x8c: {  	s18 =	sshll.u32 s0, $0xA;
	s2 =	sadd.s32 s3, s2  }
0x8d: {  	s2 =	sadd.s32 s2, s18  }
0x8e: {  	[smem:$0x3FC5] =	sst s2  }
0x8f: {  	_ = 	snop  }
0x90: {  	s2 =	sld [smem:$0x3FC9]  }
0x91: {  	s19 =	sld [smem:$0x3FC8]  }
0x92: {  	s4 =	sld [smem:$0x3FC7]  }
0x93: {  	s5 =	sld [smem:$0x3FD0];
	(tm) =	ssettm $0x1  }
0x94: {  	s6 =	sld [smem:$0x3FFB];
	_ =	sdelay $0x3  }
0x95: {  	_ =	strace s6  }
0x96: {  	s6 =	sld [smem:$0x3FFC];
	_ =	sdelay $0x3  }
0x97: {  	_ =	strace s6  }
0x98: {  	s6 =	sld [smem:$0x3FFD];
	_ =	sdelay $0x3  }
0x99: {  	_ =	strace s6  }
0x9a: {  	_ =	strace $0x8FFFFFFF  }
0x9b: {  	s20 =	sld [smem:$0x3FDB];
	_ =	sdelay $0x1  }
0x9c: {  	s7 =	simm.s32 $_scs_section_size  }
0x9d: {  	s8 =	simm.s32 $_size__tile_overlayer_lowered;
	s9 =	simm.s32 $_tile_overlayer_lowered  }
0x9e: {  	s23 =	simm.s32 $0x1BFF;
	s22 =	sshll.u32 s9, $0x1;
	s6 =	sadd.s32 s7, s20  }
0x9f: {  	s10 =	simm.s32 $0x0;
	s21 =	sshll.u32 s8, $0x1;
	s8 =	sadd.s32 s22, s6  }
0xa0: {  	[timem:s10], [sflag:s23] =	dma.local [hbm:s8], s21  }
0xa1: {  	_ =	swait.ge [sflag:s23], s21  }
0xa2: {  	s7 =	ssub.s32 $0x0, s21;
	[sflag:s23] =	ssyncset.done $0x0  }
0xa3: {  	[sflag:s23] =	ssyncadd.s32 s7;
	_ =	sdelay $0x1  }
0xa4: {  	s24 =	simm.s32 $0x1B8B  }
0xa5: {  	_ =	swait.ge [sflag:s24], $0x1  }
0xa6: {  	[sflag:s24] =	ssyncset.done $0x0  }
0xa7: {  	s25 =	simm.s32 $0x1B8E;
	[sflag:s24] =	ssyncadd.s32 $0xFFFFFFFF  }
0xa8: {  	s26 =	simm.s32 $execute0_lowered;
	[smem:$0x3FD2] =	sst s25  }
0xa9: {  	s7 =	sshll.u32 s26, $0x1;
	_ =	strace $0x80000046;
	[dreg:$0x1] =	wrdreg $0xFFFFFFFF  }
0xaa: {  	s28 =	simm.s32 $_size_execute0_lowered;
	s6 =	sadd.s32 s6, s7;
	[dreg:$0x0] =	wrdreg $0x0  }
0xab: {  	s7 =	sshll.u32 s28, $0x1;
	[dreg:$0x2] =	wrdreg s6  }
0xac: {  	[dreg:$0x3] =	wrdreg s7  }
0xad: {  	[dreg:$0x4] =	wrdreg $0xC0  }
0xae: {  	_ =	task [dreg:s10], $0x5FFFF  }
0xaf: {  	[dreg:$0x1] =	wrdreg $0xFFFFFFFF  }
0xb0: {  	[dreg:$0x0] =	wrdreg $0x60  }
0xb1: {  	[dreg:$0x2] =	wrdreg s2  }
0xb2: {  	[dreg:$0x3] =	wrdreg s19  }
0xb3: {  	[dreg:$0x4] =	wrdreg s4  }
0xb4: {  	[dreg:$0x5] =	wrdreg s5  }
0xb5: {  	[dreg:$0x6] =	wrdreg $0x3800  }
0xb6: {  	[dreg:$0x7] =	wrdreg $0x9  }
0xb7: {  	_ =	task.clear_ibuf [dreg:s10], $0x8FFFF;
	_ =	strace $0x90000046  }
0xb8: {  	s29 =	simm.s32 $0x9;
	_ =	strace $0x80000048  }
0xb9: {  	_ =	swait.ge [sflag:s29], $0x1  }
0xba: {  	[sflag:s29] =	ssyncadd.s32 $0xFFFFFFFF  }
0xbb: {  	_ =	strace $0x90000048  }
0xbc: {  	_ =	sfence  }
0xbd: {  	s30 =	sld [smem:$0x0];
	_ =	sdelay $0x2  }
0xbe: {  	s31 =	sshll.u32 s1, $0xD;
	s1 =	sshrl.u32 s1, $0x2  }
0xbf: {  	s3 =	sand.u32 $0x4000, s31;
	s1 =	sadd.s32 s1, s30  }
0xc0: {  	s0 =	sor.u32 s3, s0;
	s1 =	sshll.u32 s1, $0x11  }
0xc1: {  	s0 =	sor.u32 s1, s0  }
0xc2: {  	s0 =	sadd.s32 $0x8F2B, s0  }
0xc3: {  	[sflag:s0] =	ssyncadd.remote.s32 $0x1  }
0xc4: {  	_ =	sfence.sel $0xFFFF  }
0xc5: {  	[dreg:$0x0] =	wrdreg $0xFFFFFFFF;
	(pc) =	sbr.abs _section_cstart, $3  }
0xc6: {  	[dreg:$0x1] =	wrdreg $0xFFFFFFFF  }
0xc7: {  	_ =	task.clear_ibuf [dreg:s10], $0x2FFFF;
	_ =	strace $0x9FFFFFFF  }
0xc8: {  	(tm) =	ssettm $0x7FFFFFFF  }
0xc9: {  	_ =	shalt  }
tec
execute0_lowered:
.L_overlay_start_1:
0x0: {  	(tag) =	ssettag $0x1  }
0x1: {  	s9 =	rddreg [dreg:$0x0]  }
0x2: {  	s1 =	rddreg [dreg:$0x1]  }
0x3: {  	s2 =	rddreg [dreg:$0x2]  }
0x4: {  	s7 =	rddreg [dreg:$0x3]  }
0x5: {  	s3 =	srdreg.scid;
	s0 =	stileid.u32  }
0x6: {  	s4 =	rddreg [dreg:$0x4];
	s8 =	smul.u32 $0x280, s0  }
0x7: {  	s5 =	simm.s32 $0x0;
	s6 =	sand.u32 $0x1, s3;
	s13 =	smul.u32 $0x2710, s0  }
0x8: {  	s14 =	simm.s32 $0x0;
	s10 =	smul.u32 $0x27100, s6;
	s11 =	ssub.s32 $0x2, s6  }
0x9: {  	[smem:$0x7FF] =	sst s5;
	s6 =	smul.u32 $0x2800, s6;
	s12 =	sshrl.u32 s11, $0x1  }
0xa: {  	s3 =	rddreg [dreg:$0x5];
	_ =	strace $0x80000047;
	s11 =	ssub.s32 s11, s12  }
0xb: {  	s30 =	sadd.s32 s8, s6;
	s6 =	sadd.s32 s8, s4;
	s10 =	sadd.s32 s13, s10  }
0xc: {  	s12 =	simm.s32 $0x100;
	s13 =	simm.s32 $0x50;
	s31 =	sshrl.u32 s30, $0x3  }
0xd: {  	s8 =	smax.u32 s11, $0x1;
	s10 =	sshrl.u32 s10, $0x3;
	s11 =	simm.s32 $0x1  }
0xe: {  	s7 =	sadd.s32 s7, s31;
	s9 =	sadd.s32 s10, s9;
	s10 =	simm.s32 $0x80  }
.LBB2_1:
0xf: {  	[tilespmem:s10], [sflag:$0x1] =	stream.linear.gather [hbm4b:s2+s5], $0x80, $0x38;
	[tilespmem:$0x600] =	vst v63  }
0x10: {  	_ =	swait.ge [sflag:s11], $0x80  }
0x11: {  	[sflag:s11] =	ssyncset.done $0x0  }
0x12: {  	[sflag:s11] =	ssyncadd.s32 $0xFFFFFF80  }
0x13: {  	[tilespmem:s12], [sflag:$0x1] =	stream.linear.gather [hbm4b:s1+s5], $0x280, $0x38;
	[tilespmem:$0x600] =	vst v63  }
0x14: {  	_ =	swait.ge [sflag:s11], $0x280  }
0x15: {  	[sflag:s11] =	ssyncset.done $0x0  }
0x16: {  	[sflag:s11] =	ssyncadd.s32 $0xFFFFFD80  }
0x17: {  	[spmem:s6] =	stream.linear.scatter [tilespmem:s12], [sflag:$0x1], $0x280, $0x38;
	[tilespmem:$0x600] =	vst v63  }
0x18: {  	_ =	swait.ge [sflag:s11], $0x280  }
0x19: {  	[sflag:s11] =	ssyncset.done $0x0  }
0x1a: {  	[sflag:s11] =	ssyncadd.s32 $0xFFFFFD80  }
0x1b: {  	s15 =	sadd.s32 $0x0, s9;
	[bflag:$0x0] =	sbarrier.arrive $0xFFFF  }
0x1c: {  	[tilespmem:s5], [sflag:$0x1] =	stream.linear.gather [hbm4b:s15+s5], $0x50, $0x38;
	[tilespmem:$0x600] =	vst v63  }
0x1d: {  	_ =	swait.ge [sflag:s11], $0x50  }
0x1e: {  	[sflag:s11] =	ssyncset.done $0x0  }
0x1f: {  	[sflag:s11] =	ssyncadd.s32 $0xFFFFFFB0  }
0x20: {  	[spmem:s4] =	stream.indirect.scatter.add.f32 [tilespmem:s10], [sflag:$0x1], $0x1, s5, s13, $0xb8;
	[tilespmem:$0x600] =	vst v63  }
0x21: {  	_ =	swait.ge [sflag:s11], $0x50  }
0x22: {  	s16 =	simm.s32 $0x14;
	s15 =	simm.s32 $0xA;
	[sflag:s11] =	ssyncset.done $0x0  }
.LBB2_2:
0x23: {  	s17 =	sadd.s32 s15, s9  }
0x24: {  	[sflag:s11] =	ssyncadd.s32 $0xFFFFFFB0;
	s15 =	smov.u32 s16;
	s18 =	sadd.s32 $0xA, s16  }
0x25: {  	[tilespmem:s5], [sflag:$0x1] =	stream.linear.gather [hbm4b:s17+s5], $0x50, $0x38;
	[tilespmem:$0x600] =	vst v63  }
0x26: {  	p0 =	sne.s32 s16, $0x4D8;
	_ =	swait.ge [sflag:s11], $0x50  }
.Ltmp0:
0x27: {  	[sflag:s11] =	ssyncset.done $0x0;
	(pc) =	sbr.rel @p0 .LBB2_2-.Ltmp0, $4  }
0x28: {  	[sflag:s11] =	ssyncadd.s32 $0xFFFFFFB0  }
0x29: {  	[spmem:s4] =	stream.indirect.scatter.add.f32 [tilespmem:s10], [sflag:$0x1], $0x1, s5, s13, $0xb8;
	[tilespmem:$0x600] =	vst v63  }
0x2a: {  	_ =	swait.ge [sflag:s11], $0x50  }
0x2b: {  	s16 =	smov.u32 s18;
	[sflag:s11] =	ssyncset.done $0x0  }
0x2c: {  	s15 =	sadd.s32 s15, s9;
	[sflag:s11] =	ssyncadd.s32 $0xFFFFFFB0  }
0x2d: {  	[tilespmem:s5], [sflag:$0x1] =	stream.linear.gather [hbm4b:s15+s5], $0x50, $0x38;
	[tilespmem:$0x600] =	vst v63  }
0x2e: {  	_ =	swait.ge [sflag:s11], $0x50  }
0x2f: {  	[sflag:s11] =	ssyncset.done $0x0  }
0x30: {  	[sflag:s11] =	ssyncadd.s32 $0xFFFFFFB0  }
0x31: {  	[spmem:s4] =	stream.indirect.scatter.add.f32 [tilespmem:s10], [sflag:$0x1], $0x1, s5, s13, $0xb8;
	[tilespmem:$0x600] =	vst v63  }
0x32: {  	_ =	swait.ge [sflag:s11], $0x50  }
0x33: {  	[sflag:s11] =	ssyncset.done $0x0  }
0x34: {  	[sflag:s11] =	ssyncadd.s32 $0xFFFFFFB0  }
0x35: {  	[bflag:$0x0] =	sbarrier.arrive $0xFFFF  }
0x36: {  	[tilespmem:s12], [sflag:$0x1] =	stream.linear.gather [spmem:s6], $0x280, $0x38;
	[tilespmem:$0x600] =	vst v63  }
0x37: {  	s14 =	sadd.s32 $0x1, s14;
	_ =	swait.ge [sflag:s11], $0x280  }
0x38: {  	p0 =	sne.s32 s14, s8;
	[sflag:s11] =	ssyncset.done $0x0  }
.Ltmp1:
0x39: {  	[sflag:s11] =	ssyncadd.s32 $0xFFFFFD80;
	(pc) =	sbr.rel @p0 .LBB2_1-.Ltmp1, $4  }
0x3a: {  	[hbm4b:s7+s5] =	stream.linear.scatter [tilespmem:s12], [sflag:$0x1], $0x280, $0x38;
	[tilespmem:$0x600] =	vst v63  }
0x3b: {  	_ =	swait.ge [sflag:s11], $0x280  }
0x3c: {  	[sflag:s11] =	ssyncset.done $0x0  }
0x3d: {  	[sflag:s11] =	ssyncadd.s32 $0xFFFFFD80  }
0x3e: {  	_ =	sfence.sel $0x180000  }
0x3f: {  	[bflag:$0x0] =	sbarrier.arrive $0xFFFF  }
0x40: {  	p0 =	sne.s32 s0, $0x0;
	_ =	strace $0x90000047  }
0x41: {  	s0 =	sadd.s32 @!p0 $0x100000, s3;
	[bflag:$0x2] =	sbarrier.arrive $0xFFFF  }
0x42: {  	[sflag:s0] =	ssyncadd.tile.s32 @!p0 $0x1;
	_ =	shalt  }
.Lfunc_end2:
_tile_overlayer_lowered:
.L_overlay_start_2:
0x43: {  	(tag) =	ssettag $0x2  }
0x44: {  	s0 =	rddreg [dreg:$0x0];
	s2 =	stileid.u32  }
0x45: {  	s1 =	rddreg [dreg:$0x1];
	p0 =	sne.s32 s2, $0x0  }
0x46: {  	s3 =	rddreg [dreg:$0x2];
	[bflag:$0x3] =	sbarrier.arrive $0xFFFF;
	s2 =	simm.s32 @!p0 $0x1C01  }
0x47: {  	[timem:s3], [sflag:s2] =	dma.local @!p0 [hbm:s0], s1  }
0x48: {  	s0 =	simm.s32 @!p0 $0x1  }
0x49: {  	_ =	swait.ge @!p0 [sflag:s0], s1  }
0x4a: {  	s1 =	ssub.s32 @!p0 $0x0, s1;
	[sflag:s0] =	ssyncset.done @!p0 $0x0  }
0x4b: {  	[sflag:s0] =	ssyncadd.s32 @!p0 s1  }
0x4c: {  	[bflag:$0x3] =	sbarrier.arrive $0xFFFF  }
0x4d: {  	_ =	shalt  }

</sc_bundles>
